<compile_context>
chip_gen: v7x
topology: tpu7x:2x2x1
jax: 0.10.2.dev20260603
libtpu: 0.0.44.dev20260713+nightly
codegen_flags: <defaults>
</compile_context>

<pallas_src>
import functools

import jax
import jax.numpy as jnp
from jax import lax
from jax.experimental import pallas as pl
from jax.experimental.pallas import tpu as pltpu
from jax.experimental.pallas import tpu_sc as plsc

VOCAB = 1000000
EMBED_DIM = 32
CTX = 200

NUM_WORKERS = 32
ROWS_PER_WORKER = 8
VALID_WORKERS = CTX // ROWS_PER_WORKER

VB = 32768
NBLK = (VOCAB + VB - 1) // VB
VPAD = NBLK * VB
ROWS2D = VPAD // 128

VB3 = 131072
NBLK3 = (VOCAB + VB3 - 1) // VB3

NEG_BIG = -3.4e38


def _sc_gather_body(idx_hbm, table_hbm, out_hbm, idx_v, row_v, acc_v, sem):
    wid = lax.axis_index("s") * 2 + lax.axis_index("c")
    base = wid * ROWS_PER_WORKER
    pltpu.sync_copy(idx_hbm.at[pl.ds(base, ROWS_PER_WORKER)],
                    idx_v.at[pl.ds(0, ROWS_PER_WORKER)])
    idx_vec = idx_v[...]
    acc0 = jnp.zeros((16,), jnp.float32)
    acc1 = jnp.zeros((16,), jnp.float32)
    for j in range(ROWS_PER_WORKER):
        r = idx_vec[j]
        pltpu.sync_copy(table_hbm.at[pl.ds(r, 1), :], row_v)
        acc0 = acc0 + row_v[0, pl.ds(0, 16)]
        acc1 = acc1 + row_v[0, pl.ds(16, 16)]
    valid = wid < VALID_WORKERS
    acc0 = jnp.where(valid, acc0, jnp.zeros((16,), jnp.float32))
    acc1 = jnp.where(valid, acc1, jnp.zeros((16,), jnp.float32))
    acc_v[pl.ds(0, 16)] = acc0
    acc_v[pl.ds(16, 16)] = acc1
    pltpu.sync_copy(acc_v, out_hbm.at[wid])


_SC_GATHER_CACHE = []


def _sc_gather(idx, table):
    if not _SC_GATHER_CACHE:
        _SC_GATHER_CACHE.append(functools.partial(
            pl.kernel,
            mesh=plsc.VectorSubcoreMesh(core_axis_name="c", subcore_axis_name="s"),
            out_type=jax.ShapeDtypeStruct((NUM_WORKERS, EMBED_DIM), jnp.float32),
            scratch_types=[
                pltpu.VMEM((16,), jnp.int32),
                pltpu.VMEM((1, EMBED_DIM), jnp.float32),
                pltpu.VMEM((EMBED_DIM,), jnp.float32),
                pltpu.SemaphoreType.DMA,
            ],
        )(_sc_gather_body))
    return _SC_GATHER_CACHE[0](idx, table)


def _logits_body(partials_ref, wt_ref, b_ref, out_ref):
    emb = jnp.sum(partials_ref[...], axis=0, keepdims=True)
    emb_col = jnp.transpose(emb)
    prod = wt_ref[...] * emb_col
    out_ref[...] = jnp.sum(prod, axis=0) + b_ref[...]


def _logz_body(x_ref, logz_ref):
    x = x_ref[...]
    gidx = (lax.broadcasted_iota(jnp.int32, (ROWS2D, 128), 0) * 128
            + lax.broadcasted_iota(jnp.int32, (ROWS2D, 128), 1))
    x = jnp.where(gidx < VOCAB, x, NEG_BIG)
    m = jnp.max(x)
    s = jnp.sum(jnp.exp(x - m))
    logz_ref[0, 0] = m + jnp.log(s)


def _sub_body(logits_ref, logz_ref, out_ref):
    out_ref[...] = logits_ref[...] - logz_ref[0, 0]


def _tc_call(partials, wt, b):
    logits = pl.pallas_call(
        _logits_body,
        grid=(NBLK,),
        in_specs=[
            pl.BlockSpec((NUM_WORKERS, EMBED_DIM), lambda i: (0, 0)),
            pl.BlockSpec((EMBED_DIM, VB), lambda i: (0, i)),
            pl.BlockSpec((VB,), lambda i: (i,)),
        ],
        out_specs=pl.BlockSpec((VB,), lambda i: (i,)),
        out_shape=jax.ShapeDtypeStruct((VPAD,), jnp.float32),
    )(partials, wt, b)
    logz = pl.pallas_call(
        _logz_body,
        in_specs=[pl.BlockSpec((ROWS2D, 128), lambda: (0, 0))],
        out_specs=pl.BlockSpec(memory_space=pltpu.SMEM),
        out_shape=jax.ShapeDtypeStruct((1, 1), jnp.float32),
    )(logits.reshape(ROWS2D, 128))
    return pl.pallas_call(
        _sub_body,
        grid=(NBLK3,),
        in_specs=[
            pl.BlockSpec((VB3,), lambda i: (i,)),
            pl.BlockSpec(memory_space=pltpu.SMEM),
        ],
        out_specs=pl.BlockSpec((VB3,), lambda i: (i,)),
        out_shape=jax.ShapeDtypeStruct((VOCAB,), jnp.float32),
    )(logits, logz)


def kernel(inputs, emb_table, W, b):
    idx = jnp.concatenate(
        [inputs.astype(jnp.int32),
         jnp.zeros((NUM_WORKERS * ROWS_PER_WORKER - CTX,), jnp.int32)]
    )
    partials = _sc_gather(idx, emb_table)
    out = _tc_call(partials, W.T, b)
    return out.reshape(1, VOCAB)

# --- scband reference (transcript-rebuilt; emitter-appended) ---
"""Pipeline reference for scband-cbow-18562848653397 (READ-ONLY COPY).

The authoritative reference and input builder live on the scoring server;
editing this copy changes nothing except your own understanding.
"""

import jax, jax.numpy as jnp
import numpy as np

VOCAB = 1000000
EMBED_DIM = 32
CTX = 200

def setup_inputs(seed: int = 0) -> dict:
    key = jax.random.key(seed)
    k1, k2, k3, k4 = jax.random.split(key, 4)
    inputs = jax.random.randint(k1, (CTX,), 0, VOCAB, dtype=jnp.int64)
    emb_table = jax.random.normal(k2, (VOCAB, EMBED_DIM), dtype=jnp.float32) * 0.02
    W = jax.random.normal(k3, (VOCAB, EMBED_DIM), dtype=jnp.float32) * 0.02
    b = jnp.zeros((VOCAB,), dtype=jnp.float32)
    return {"inputs": inputs, "emb_table": emb_table, "W": W, "b": b}

def reference(inputs, emb_table, W, b):
    # nn.Embedding lookup
    embedded_input = jnp.take(emb_table, inputs, axis=0)  # [CTX, EMBED_DIM]
    # sum over context dim 0
    embedded = jnp.sum(embedded_input, axis=0)
    embedded = embedded.reshape(1, -1)  # [1, EMBED_DIM]
    # nn.Linear: x @ W.T + b
    logits = embedded @ W.T + b  # [1, VOCAB]
    return jax.nn.log_softmax(logits, axis=-1)

if __name__ == "__main__":
    import jax
    _d = setup_inputs()
    print(jax.jit(kernel)(*tuple(_d.values())))

</pallas_src>

<mosaic_0001>
#map = affine_map<(d0, d1) -> (0)>
#map1 = affine_map<(d0, d1) -> (0, 0)>
module attributes {stable_mosaic.version = 14 : i64} {
  func.func @_sc_gather_body(%arg0: i32, %arg1: i32, %arg2: memref<256xi32, #tpu.memory_space<hbm>>, %arg3: memref<1000000x32xf32, #tpu.memory_space<hbm>>, %arg4: memref<32x32xf32, #tpu.memory_space<hbm>>, %arg5: memref<16xi32, #tpu.memory_space<vmem>>, %arg6: memref<1x32xf32, #tpu.memory_space<vmem>>, %arg7: memref<32xf32, #tpu.memory_space<vmem>>, %arg8: memref<!tpu.dma_semaphore, #tpu.memory_space<semaphore_mem>>) attributes {dimension_semantics = [#tpu.dimension_semantics<core_parallel>, #tpu.dimension_semantics<subcore_parallel>], iteration_bounds = array<i64: 2, 16>, scalar_prefetch = 0 : i64, scratch_operands = 4 : i64, tpu.core_type = #tpu.core_type<sc_vector_subcore>, window_params = [{transform_indices = #map}, {transform_indices = #map1}, {transform_indices = #map1}]} {
    %mul3A = arith.constant 2 : i32
    %mul3A_0 = arith.muli %arg1, %mul3A : i32
    %add3A = arith.addi %mul3A_0, %arg0 : i32
    %mul3A_1 = arith.constant 8 : i32
    %mul3A_2 = arith.muli %add3A, %mul3A_1 : i32
    "tpu.region"() ({
      %run_scoped3A = tpu.sem_alloc : memref<!tpu.dma_semaphore, #tpu.memory_space<semaphore_mem>>
      %dma_start3A = arith.constant 0 : i32
      %dma_start3A_131 = tpu.memref_slice %arg5[%dma_start3A] : memref<16xi32, #tpu.memory_space<vmem>> -> memref<8xi32, #tpu.memory_space<vmem>>
      %dma_start3A_132 = tpu.memref_slice %arg2[%mul3A_2] : memref<256xi32, #tpu.memory_space<hbm>> -> memref<8xi32, #tpu.memory_space<hbm>>
      %dma_start3A_133 = arith.constant 0 : i32
      %dma_start3A_134 = tpu.memref_slice %arg5[%dma_start3A_133] : memref<16xi32, #tpu.memory_space<vmem>> -> memref<8xi32, #tpu.memory_space<vmem>>
      %dma_start3A_135 = tpu.memref_slice %arg2[%mul3A_2] : memref<256xi32, #tpu.memory_space<hbm>> -> memref<8xi32, #tpu.memory_space<hbm>>
      tpu.enqueue_dma source(%dma_start3A_135 : memref<8xi32, #tpu.memory_space<hbm>>) target(%dma_start3A_134 : memref<8xi32, #tpu.memory_space<vmem>>) target_semaphore(%run_scoped3A : memref<!tpu.dma_semaphore, #tpu.memory_space<semaphore_mem>>)
      %dma_wait3A = arith.constant 0 : i32
      %dma_wait3A_136 = tpu.memref_slice %arg5[%dma_wait3A] : memref<16xi32, #tpu.memory_space<vmem>> -> memref<8xi32, #tpu.memory_space<vmem>>
      %dma_wait3A_137 = tpu.memref_slice %arg2[%mul3A_2] : memref<256xi32, #tpu.memory_space<hbm>> -> memref<8xi32, #tpu.memory_space<hbm>>
      %dma_wait3A_138 = arith.constant 0 : i32
      %dma_wait3A_139 = tpu.memref_slice %arg5[%dma_wait3A_138] : memref<16xi32, #tpu.memory_space<vmem>> -> memref<8xi32, #tpu.memory_space<vmem>>
      %dma_wait3A_140 = tpu.memref_slice %arg2[%mul3A_2] : memref<256xi32, #tpu.memory_space<hbm>> -> memref<8xi32, #tpu.memory_space<hbm>>
      tpu.wait_dma2 semaphore(%run_scoped3A : memref<!tpu.dma_semaphore, #tpu.memory_space<semaphore_mem>>) src(%dma_wait3A_140 : memref<8xi32, #tpu.memory_space<hbm>>) dst(%dma_wait3A_139 : memref<8xi32, #tpu.memory_space<vmem>>)
      tpu.yield
    }) : () -> ()
    %get3A = arith.constant 0 : index
    %get3A_3 = tpu.vector_load %arg5[%get3A] {strides = array<i32>} : memref<16xi32, #tpu.memory_space<vmem>>, vector<16xi32>,
    %get3A_4 = vector.shape_cast %get3A_3 : vector<16xi32> to vector<16xi32>
    %broadcast_in_dim3A = arith.constant 0.000000e+00 : f32
    %broadcast_in_dim3A_5 = vector.broadcast %broadcast_in_dim3A : f32 to vector<16xf32>
    %broadcast_in_dim3A_6 = arith.constant 0.000000e+00 : f32
    %broadcast_in_dim3A_7 = vector.broadcast %broadcast_in_dim3A_6 : f32 to vector<16xf32>
    %slice3A = vector.extract_strided_slice %get3A_4 {offsets = [0], sizes = [1], strides = [1]} : vector<16xi32> to vector<1xi32>
    %squeeze3A = vector.extract %slice3A[0] : i32 from vector<1xi32>
    "tpu.region"() ({
      %run_scoped3A = tpu.sem_alloc : memref<!tpu.dma_semaphore, #tpu.memory_space<semaphore_mem>>
      %dma_start3A = arith.constant 0 : i32
      %dma_start3A_131 = tpu.memref_slice %arg3[%squeeze3A, %dma_start3A] : memref<1000000x32xf32, #tpu.memory_space<hbm>> -> memref<1x32xf32, #tpu.memory_space<hbm>>
      %dma_start3A_132 = arith.constant 0 : i32
      %dma_start3A_133 = tpu.memref_slice %arg3[%squeeze3A, %dma_start3A_132] : memref<1000000x32xf32, #tpu.memory_space<hbm>> -> memref<1x32xf32, #tpu.memory_space<hbm>>
      tpu.enqueue_dma source(%dma_start3A_133 : memref<1x32xf32, #tpu.memory_space<hbm>>) target(%arg6 : memref<1x32xf32, #tpu.memory_space<vmem>>) target_semaphore(%run_scoped3A : memref<!tpu.dma_semaphore, #tpu.memory_space<semaphore_mem>>)
      %dma_wait3A = arith.constant 0 : i32
      %dma_wait3A_134 = tpu.memref_slice %arg3[%squeeze3A, %dma_wait3A] : memref<1000000x32xf32, #tpu.memory_space<hbm>> -> memref<1x32xf32, #tpu.memory_space<hbm>>
      %dma_wait3A_135 = arith.constant 0 : i32
      %dma_wait3A_136 = tpu.memref_slice %arg3[%squeeze3A, %dma_wait3A_135] : memref<1000000x32xf32, #tpu.memory_space<hbm>> -> memref<1x32xf32, #tpu.memory_space<hbm>>
      tpu.wait_dma2 semaphore(%run_scoped3A : memref<!tpu.dma_semaphore, #tpu.memory_space<semaphore_mem>>) src(%dma_wait3A_136 : memref<1x32xf32, #tpu.memory_space<hbm>>) dst(%arg6 : memref<1x32xf32, #tpu.memory_space<vmem>>)
      tpu.yield
    }) : () -> ()
    %get3A_8 = arith.constant 0 : i32
    %get3A_9 = arith.index_cast %get3A_8 : i32 to index
    %get3A_10 = arith.constant 0 : index
    %get3A_11 = tpu.vector_load %arg6[%get3A_9, %get3A_10] {strides = array<i32>} : memref<1x32xf32, #tpu.memory_space<vmem>>, vector<1x16xf32>,
    %get3A_12 = vector.shape_cast %get3A_11 : vector<1x16xf32> to vector<16xf32>
    %add3A_13 = arith.addf %broadcast_in_dim3A_5, %get3A_12 : vector<16xf32>
    %get3A_14 = arith.constant 0 : i32
    %get3A_15 = arith.index_cast %get3A_14 : i32 to index
    %get3A_16 = arith.constant 16 : index
    %get3A_17 = tpu.vector_load %arg6[%get3A_15, %get3A_16] {strides = array<i32>} : memref<1x32xf32, #tpu.memory_space<vmem>>, vector<1x16xf32>,
    %get3A_18 = vector.shape_cast %get3A_17 : vector<1x16xf32> to vector<16xf32>
    %add3A_19 = arith.addf %broadcast_in_dim3A_7, %get3A_18 : vector<16xf32>
    %slice3A_20 = vector.extract_strided_slice %get3A_4 {offsets = [1], sizes = [1], strides = [1]} : vector<16xi32> to vector<1xi32>
    %squeeze3A_21 = vector.extract %slice3A_20[0] : i32 from vector<1xi32>
    "tpu.region"() ({
      %run_scoped3A = tpu.sem_alloc : memref<!tpu.dma_semaphore, #tpu.memory_space<semaphore_mem>>
      %dma_start3A = arith.constant 0 : i32
      %dma_start3A_131 = tpu.memref_slice %arg3[%squeeze3A_21, %dma_start3A] : memref<1000000x32xf32, #tpu.memory_space<hbm>> -> memref<1x32xf32, #tpu.memory_space<hbm>>
      %dma_start3A_132 = arith.constant 0 : i32
      %dma_start3A_133 = tpu.memref_slice %arg3[%squeeze3A_21, %dma_start3A_132] : memref<1000000x32xf32, #tpu.memory_space<hbm>> -> memref<1x32xf32, #tpu.memory_space<hbm>>
      tpu.enqueue_dma source(%dma_start3A_133 : memref<1x32xf32, #tpu.memory_space<hbm>>) target(%arg6 : memref<1x32xf32, #tpu.memory_space<vmem>>) target_semaphore(%run_scoped3A : memref<!tpu.dma_semaphore, #tpu.memory_space<semaphore_mem>>)
      %dma_wait3A = arith.constant 0 : i32
      %dma_wait3A_134 = tpu.memref_slice %arg3[%squeeze3A_21, %dma_wait3A] : memref<1000000x32xf32, #tpu.memory_space<hbm>> -> memref<1x32xf32, #tpu.memory_space<hbm>>
      %dma_wait3A_135 = arith.constant 0 : i32
      %dma_wait3A_136 = tpu.memref_slice %arg3[%squeeze3A_21, %dma_wait3A_135] : memref<1000000x32xf32, #tpu.memory_space<hbm>> -> memref<1x32xf32, #tpu.memory_space<hbm>>
      tpu.wait_dma2 semaphore(%run_scoped3A : memref<!tpu.dma_semaphore, #tpu.memory_space<semaphore_mem>>) src(%dma_wait3A_136 : memref<1x32xf32, #tpu.memory_space<hbm>>) dst(%arg6 : memref<1x32xf32, #tpu.memory_space<vmem>>)
      tpu.yield
    }) : () -> ()
    %get3A_22 = arith.constant 0 : i32
    %get3A_23 = arith.index_cast %get3A_22 : i32 to index
    %get3A_24 = arith.constant 0 : index
    %get3A_25 = tpu.vector_load %arg6[%get3A_23, %get3A_24] {strides = array<i32>} : memref<1x32xf32, #tpu.memory_space<vmem>>, vector<1x16xf32>,
    %get3A_26 = vector.shape_cast %get3A_25 : vector<1x16xf32> to vector<16xf32>
    %add3A_27 = arith.addf %add3A_13, %get3A_26 : vector<16xf32>
    %get3A_28 = arith.constant 0 : i32
    %get3A_29 = arith.index_cast %get3A_28 : i32 to index
    %get3A_30 = arith.constant 16 : index
    %get3A_31 = tpu.vector_load %arg6[%get3A_29, %get3A_30] {strides = array<i32>} : memref<1x32xf32, #tpu.memory_space<vmem>>, vector<1x16xf32>,
    %get3A_32 = vector.shape_cast %get3A_31 : vector<1x16xf32> to vector<16xf32>
    %add3A_33 = arith.addf %add3A_19, %get3A_32 : vector<16xf32>
    %slice3A_34 = vector.extract_strided_slice %get3A_4 {offsets = [2], sizes = [1], strides = [1]} : vector<16xi32> to vector<1xi32>
    %squeeze3A_35 = vector.extract %slice3A_34[0] : i32 from vector<1xi32>
    "tpu.region"() ({
      %run_scoped3A = tpu.sem_alloc : memref<!tpu.dma_semaphore, #tpu.memory_space<semaphore_mem>>
      %dma_start3A = arith.constant 0 : i32
      %dma_start3A_131 = tpu.memref_slice %arg3[%squeeze3A_35, %dma_start3A] : memref<1000000x32xf32, #tpu.memory_space<hbm>> -> memref<1x32xf32, #tpu.memory_space<hbm>>
      %dma_start3A_132 = arith.constant 0 : i32
      %dma_start3A_133 = tpu.memref_slice %arg3[%squeeze3A_35, %dma_start3A_132] : memref<1000000x32xf32, #tpu.memory_space<hbm>> -> memref<1x32xf32, #tpu.memory_space<hbm>>
      tpu.enqueue_dma source(%dma_start3A_133 : memref<1x32xf32, #tpu.memory_space<hbm>>) target(%arg6 : memref<1x32xf32, #tpu.memory_space<vmem>>) target_semaphore(%run_scoped3A : memref<!tpu.dma_semaphore, #tpu.memory_space<semaphore_mem>>)
      %dma_wait3A = arith.constant 0 : i32
      %dma_wait3A_134 = tpu.memref_slice %arg3[%squeeze3A_35, %dma_wait3A] : memref<1000000x32xf32, #tpu.memory_space<hbm>> -> memref<1x32xf32, #tpu.memory_space<hbm>>
      %dma_wait3A_135 = arith.constant 0 : i32
      %dma_wait3A_136 = tpu.memref_slice %arg3[%squeeze3A_35, %dma_wait3A_135] : memref<1000000x32xf32, #tpu.memory_space<hbm>> -> memref<1x32xf32, #tpu.memory_space<hbm>>
      tpu.wait_dma2 semaphore(%run_scoped3A : memref<!tpu.dma_semaphore, #tpu.memory_space<semaphore_mem>>) src(%dma_wait3A_136 : memref<1x32xf32, #tpu.memory_space<hbm>>) dst(%arg6 : memref<1x32xf32, #tpu.memory_space<vmem>>)
      tpu.yield
    }) : () -> ()
    %get3A_36 = arith.constant 0 : i32
    %get3A_37 = arith.index_cast %get3A_36 : i32 to index
    %get3A_38 = arith.constant 0 : index
    %get3A_39 = tpu.vector_load %arg6[%get3A_37, %get3A_38] {strides = array<i32>} : memref<1x32xf32, #tpu.memory_space<vmem>>, vector<1x16xf32>,
    %get3A_40 = vector.shape_cast %get3A_39 : vector<1x16xf32> to vector<16xf32>
    %add3A_41 = arith.addf %add3A_27, %get3A_40 : vector<16xf32>
    %get3A_42 = arith.constant 0 : i32
    %get3A_43 = arith.index_cast %get3A_42 : i32 to index
    %get3A_44 = arith.constant 16 : index
    %get3A_45 = tpu.vector_load %arg6[%get3A_43, %get3A_44] {strides = array<i32>} : memref<1x32xf32, #tpu.memory_space<vmem>>, vector<1x16xf32>,
    %get3A_46 = vector.shape_cast %get3A_45 : vector<1x16xf32> to vector<16xf32>
    %add3A_47 = arith.addf %add3A_33, %get3A_46 : vector<16xf32>
    %slice3A_48 = vector.extract_strided_slice %get3A_4 {offsets = [3], sizes = [1], strides = [1]} : vector<16xi32> to vector<1xi32>
    %squeeze3A_49 = vector.extract %slice3A_48[0] : i32 from vector<1xi32>
    "tpu.region"() ({
      %run_scoped3A = tpu.sem_alloc : memref<!tpu.dma_semaphore, #tpu.memory_space<semaphore_mem>>
      %dma_start3A = arith.constant 0 : i32
      %dma_start3A_131 = tpu.memref_slice %arg3[%squeeze3A_49, %dma_start3A] : memref<1000000x32xf32, #tpu.memory_space<hbm>> -> memref<1x32xf32, #tpu.memory_space<hbm>>
      %dma_start3A_132 = arith.constant 0 : i32
      %dma_start3A_133 = tpu.memref_slice %arg3[%squeeze3A_49, %dma_start3A_132] : memref<1000000x32xf32, #tpu.memory_space<hbm>> -> memref<1x32xf32, #tpu.memory_space<hbm>>
      tpu.enqueue_dma source(%dma_start3A_133 : memref<1x32xf32, #tpu.memory_space<hbm>>) target(%arg6 : memref<1x32xf32, #tpu.memory_space<vmem>>) target_semaphore(%run_scoped3A : memref<!tpu.dma_semaphore, #tpu.memory_space<semaphore_mem>>)
      %dma_wait3A = arith.constant 0 : i32
      %dma_wait3A_134 = tpu.memref_slice %arg3[%squeeze3A_49, %dma_wait3A] : memref<1000000x32xf32, #tpu.memory_space<hbm>> -> memref<1x32xf32, #tpu.memory_space<hbm>>
      %dma_wait3A_135 = arith.constant 0 : i32
      %dma_wait3A_136 = tpu.memref_slice %arg3[%squeeze3A_49, %dma_wait3A_135] : memref<1000000x32xf32, #tpu.memory_space<hbm>> -> memref<1x32xf32, #tpu.memory_space<hbm>>
      tpu.wait_dma2 semaphore(%run_scoped3A : memref<!tpu.dma_semaphore, #tpu.memory_space<semaphore_mem>>) src(%dma_wait3A_136 : memref<1x32xf32, #tpu.memory_space<hbm>>) dst(%arg6 : memref<1x32xf32, #tpu.memory_space<vmem>>)
      tpu.yield
    }) : () -> ()
    %get3A_50 = arith.constant 0 : i32
    %get3A_51 = arith.index_cast %get3A_50 : i32 to index
    %get3A_52 = arith.constant 0 : index
    %get3A_53 = tpu.vector_load %arg6[%get3A_51, %get3A_52] {strides = array<i32>} : memref<1x32xf32, #tpu.memory_space<vmem>>, vector<1x16xf32>,
    %get3A_54 = vector.shape_cast %get3A_53 : vector<1x16xf32> to vector<16xf32>
    %add3A_55 = arith.addf %add3A_41, %get3A_54 : vector<16xf32>
    %get3A_56 = arith.constant 0 : i32
    %get3A_57 = arith.index_cast %get3A_56 : i32 to index
    %get3A_58 = arith.constant 16 : index
    %get3A_59 = tpu.vector_load %arg6[%get3A_57, %get3A_58] {strides = array<i32>} : memref<1x32xf32, #tpu.memory_space<vmem>>, vector<1x16xf32>,
    %get3A_60 = vector.shape_cast %get3A_59 : vector<1x16xf32> to vector<16xf32>
    %add3A_61 = arith.addf %add3A_47, %get3A_60 : vector<16xf32>
    %slice3A_62 = vector.extract_strided_slice %get3A_4 {offsets = [4], sizes = [1], strides = [1]} : vector<16xi32> to vector<1xi32>
    %squeeze3A_63 = vector.extract %slice3A_62[0] : i32 from vector<1xi32>
    "tpu.region"() ({
      %run_scoped3A = tpu.sem_alloc : memref<!tpu.dma_semaphore, #tpu.memory_space<semaphore_mem>>
      %dma_start3A = arith.constant 0 : i32
      %dma_start3A_131 = tpu.memref_slice %arg3[%squeeze3A_63, %dma_start3A] : memref<1000000x32xf32, #tpu.memory_space<hbm>> -> memref<1x32xf32, #tpu.memory_space<hbm>>
      %dma_start3A_132 = arith.constant 0 : i32
      %dma_start3A_133 = tpu.memref_slice %arg3[%squeeze3A_63, %dma_start3A_132] : memref<1000000x32xf32, #tpu.memory_space<hbm>> -> memref<1x32xf32, #tpu.memory_space<hbm>>
      tpu.enqueue_dma source(%dma_start3A_133 : memref<1x32xf32, #tpu.memory_space<hbm>>) target(%arg6 : memref<1x32xf32, #tpu.memory_space<vmem>>) target_semaphore(%run_scoped3A : memref<!tpu.dma_semaphore, #tpu.memory_space<semaphore_mem>>)
      %dma_wait3A = arith.constant 0 : i32
      %dma_wait3A_134 = tpu.memref_slice %arg3[%squeeze3A_63, %dma_wait3A] : memref<1000000x32xf32, #tpu.memory_space<hbm>> -> memref<1x32xf32, #tpu.memory_space<hbm>>
      %dma_wait3A_135 = arith.constant 0 : i32
      %dma_wait3A_136 = tpu.memref_slice %arg3[%squeeze3A_63, %dma_wait3A_135] : memref<1000000x32xf32, #tpu.memory_space<hbm>> -> memref<1x32xf32, #tpu.memory_space<hbm>>
      tpu.wait_dma2 semaphore(%run_scoped3A : memref<!tpu.dma_semaphore, #tpu.memory_space<semaphore_mem>>) src(%dma_wait3A_136 : memref<1x32xf32, #tpu.memory_space<hbm>>) dst(%arg6 : memref<1x32xf32, #tpu.memory_space<vmem>>)
      tpu.yield
    }) : () -> ()
    %get3A_64 = arith.constant 0 : i32
    %get3A_65 = arith.index_cast %get3A_64 : i32 to index
    %get3A_66 = arith.constant 0 : index
    %get3A_67 = tpu.vector_load %arg6[%get3A_65, %get3A_66] {strides = array<i32>} : memref<1x32xf32, #tpu.memory_space<vmem>>, vector<1x16xf32>,
    %get3A_68 = vector.shape_cast %get3A_67 : vector<1x16xf32> to vector<16xf32>
    %add3A_69 = arith.addf %add3A_55, %get3A_68 : vector<16xf32>
    %get3A_70 = arith.constant 0 : i32
    %get3A_71 = arith.index_cast %get3A_70 : i32 to index
    %get3A_72 = arith.constant 16 : index
    %get3A_73 = tpu.vector_load %arg6[%get3A_71, %get3A_72] {strides = array<i32>} : memref<1x32xf32, #tpu.memory_space<vmem>>, vector<1x16xf32>,
    %get3A_74 = vector.shape_cast %get3A_73 : vector<1x16xf32> to vector<16xf32>
    %add3A_75 = arith.addf %add3A_61, %get3A_74 : vector<16xf32>
    %slice3A_76 = vector.extract_strided_slice %get3A_4 {offsets = [5], sizes = [1], strides = [1]} : vector<16xi32> to vector<1xi32>
    %squeeze3A_77 = vector.extract %slice3A_76[0] : i32 from vector<1xi32>
    "tpu.region"() ({
      %run_scoped3A = tpu.sem_alloc : memref<!tpu.dma_semaphore, #tpu.memory_space<semaphore_mem>>
      %dma_start3A = arith.constant 0 : i32
      %dma_start3A_131 = tpu.memref_slice %arg3[%squeeze3A_77, %dma_start3A] : memref<1000000x32xf32, #tpu.memory_space<hbm>> -> memref<1x32xf32, #tpu.memory_space<hbm>>
      %dma_start3A_132 = arith.constant 0 : i32
      %dma_start3A_133 = tpu.memref_slice %arg3[%squeeze3A_77, %dma_start3A_132] : memref<1000000x32xf32, #tpu.memory_space<hbm>> -> memref<1x32xf32, #tpu.memory_space<hbm>>
      tpu.enqueue_dma source(%dma_start3A_133 : memref<1x32xf32, #tpu.memory_space<hbm>>) target(%arg6 : memref<1x32xf32, #tpu.memory_space<vmem>>) target_semaphore(%run_scoped3A : memref<!tpu.dma_semaphore, #tpu.memory_space<semaphore_mem>>)
      %dma_wait3A = arith.constant 0 : i32
      %dma_wait3A_134 = tpu.memref_slice %arg3[%squeeze3A_77, %dma_wait3A] : memref<1000000x32xf32, #tpu.memory_space<hbm>> -> memref<1x32xf32, #tpu.memory_space<hbm>>
      %dma_wait3A_135 = arith.constant 0 : i32
      %dma_wait3A_136 = tpu.memref_slice %arg3[%squeeze3A_77, %dma_wait3A_135] : memref<1000000x32xf32, #tpu.memory_space<hbm>> -> memref<1x32xf32, #tpu.memory_space<hbm>>
      tpu.wait_dma2 semaphore(%run_scoped3A : memref<!tpu.dma_semaphore, #tpu.memory_space<semaphore_mem>>) src(%dma_wait3A_136 : memref<1x32xf32, #tpu.memory_space<hbm>>) dst(%arg6 : memref<1x32xf32, #tpu.memory_space<vmem>>)
      tpu.yield
    }) : () -> ()
    %get3A_78 = arith.constant 0 : i32
    %get3A_79 = arith.index_cast %get3A_78 : i32 to index
    %get3A_80 = arith.constant 0 : index
    %get3A_81 = tpu.vector_load %arg6[%get3A_79, %get3A_80] {strides = array<i32>} : memref<1x32xf32, #tpu.memory_space<vmem>>, vector<1x16xf32>,
    %get3A_82 = vector.shape_cast %get3A_81 : vector<1x16xf32> to vector<16xf32>
    %add3A_83 = arith.addf %add3A_69, %get3A_82 : vector<16xf32>
    %get3A_84 = arith.constant 0 : i32
    %get3A_85 = arith.index_cast %get3A_84 : i32 to index
    %get3A_86 = arith.constant 16 : index
    %get3A_87 = tpu.vector_load %arg6[%get3A_85, %get3A_86] {strides = array<i32>} : memref<1x32xf32, #tpu.memory_space<vmem>>, vector<1x16xf32>,
    %get3A_88 = vector.shape_cast %get3A_87 : vector<1x16xf32> to vector<16xf32>
    %add3A_89 = arith.addf %add3A_75, %get3A_88 : vector<16xf32>
    %slice3A_90 = vector.extract_strided_slice %get3A_4 {offsets = [6], sizes = [1], strides = [1]} : vector<16xi32> to vector<1xi32>
    %squeeze3A_91 = vector.extract %slice3A_90[0] : i32 from vector<1xi32>
    "tpu.region"() ({
      %run_scoped3A = tpu.sem_alloc : memref<!tpu.dma_semaphore, #tpu.memory_space<semaphore_mem>>
      %dma_start3A = arith.constant 0 : i32
      %dma_start3A_131 = tpu.memref_slice %arg3[%squeeze3A_91, %dma_start3A] : memref<1000000x32xf32, #tpu.memory_space<hbm>> -> memref<1x32xf32, #tpu.memory_space<hbm>>
      %dma_start3A_132 = arith.constant 0 : i32
      %dma_start3A_133 = tpu.memref_slice %arg3[%squeeze3A_91, %dma_start3A_132] : memref<1000000x32xf32, #tpu.memory_space<hbm>> -> memref<1x32xf32, #tpu.memory_space<hbm>>
      tpu.enqueue_dma source(%dma_start3A_133 : memref<1x32xf32, #tpu.memory_space<hbm>>) target(%arg6 : memref<1x32xf32, #tpu.memory_space<vmem>>) target_semaphore(%run_scoped3A : memref<!tpu.dma_semaphore, #tpu.memory_space<semaphore_mem>>)
      %dma_wait3A = arith.constant 0 : i32
      %dma_wait3A_134 = tpu.memref_slice %arg3[%squeeze3A_91, %dma_wait3A] : memref<1000000x32xf32, #tpu.memory_space<hbm>> -> memref<1x32xf32, #tpu.memory_space<hbm>>
      %dma_wait3A_135 = arith.constant 0 : i32
      %dma_wait3A_136 = tpu.memref_slice %arg3[%squeeze3A_91, %dma_wait3A_135] : memref<1000000x32xf32, #tpu.memory_space<hbm>> -> memref<1x32xf32, #tpu.memory_space<hbm>>
      tpu.wait_dma2 semaphore(%run_scoped3A : memref<!tpu.dma_semaphore, #tpu.memory_space<semaphore_mem>>) src(%dma_wait3A_136 : memref<1x32xf32, #tpu.memory_space<hbm>>) dst(%arg6 : memref<1x32xf32, #tpu.memory_space<vmem>>)
      tpu.yield
    }) : () -> ()
    %get3A_92 = arith.constant 0 : i32
    %get3A_93 = arith.index_cast %get3A_92 : i32 to index
    %get3A_94 = arith.constant 0 : index
    %get3A_95 = tpu.vector_load %arg6[%get3A_93, %get3A_94] {strides = array<i32>} : memref<1x32xf32, #tpu.memory_space<vmem>>, vector<1x16xf32>,
    %get3A_96 = vector.shape_cast %get3A_95 : vector<1x16xf32> to vector<16xf32>
    %add3A_97 = arith.addf %add3A_83, %get3A_96 : vector<16xf32>
    %get3A_98 = arith.constant 0 : i32
    %get3A_99 = arith.index_cast %get3A_98 : i32 to index
    %get3A_100 = arith.constant 16 : index
    %get3A_101 = tpu.vector_load %arg6[%get3A_99, %get3A_100] {strides = array<i32>} : memref<1x32xf32, #tpu.memory_space<vmem>>, vector<1x16xf32>,
    %get3A_102 = vector.shape_cast %get3A_101 : vector<1x16xf32> to vector<16xf32>
    %add3A_103 = arith.addf %add3A_89, %get3A_102 : vector<16xf32>
    %slice3A_104 = vector.extract_strided_slice %get3A_4 {offsets = [7], sizes = [1], strides = [1]} : vector<16xi32> to vector<1xi32>
    %squeeze3A_105 = vector.extract %slice3A_104[0] : i32 from vector<1xi32>
    "tpu.region"() ({
      %run_scoped3A = tpu.sem_alloc : memref<!tpu.dma_semaphore, #tpu.memory_space<semaphore_mem>>
      %dma_start3A = arith.constant 0 : i32
      %dma_start3A_131 = tpu.memref_slice %arg3[%squeeze3A_105, %dma_start3A] : memref<1000000x32xf32, #tpu.memory_space<hbm>> -> memref<1x32xf32, #tpu.memory_space<hbm>>
      %dma_start3A_132 = arith.constant 0 : i32
      %dma_start3A_133 = tpu.memref_slice %arg3[%squeeze3A_105, %dma_start3A_132] : memref<1000000x32xf32, #tpu.memory_space<hbm>> -> memref<1x32xf32, #tpu.memory_space<hbm>>
      tpu.enqueue_dma source(%dma_start3A_133 : memref<1x32xf32, #tpu.memory_space<hbm>>) target(%arg6 : memref<1x32xf32, #tpu.memory_space<vmem>>) target_semaphore(%run_scoped3A : memref<!tpu.dma_semaphore, #tpu.memory_space<semaphore_mem>>)
      %dma_wait3A = arith.constant 0 : i32
      %dma_wait3A_134 = tpu.memref_slice %arg3[%squeeze3A_105, %dma_wait3A] : memref<1000000x32xf32, #tpu.memory_space<hbm>> -> memref<1x32xf32, #tpu.memory_space<hbm>>
      %dma_wait3A_135 = arith.constant 0 : i32
      %dma_wait3A_136 = tpu.memref_slice %arg3[%squeeze3A_105, %dma_wait3A_135] : memref<1000000x32xf32, #tpu.memory_space<hbm>> -> memref<1x32xf32, #tpu.memory_space<hbm>>
      tpu.wait_dma2 semaphore(%run_scoped3A : memref<!tpu.dma_semaphore, #tpu.memory_space<semaphore_mem>>) src(%dma_wait3A_136 : memref<1x32xf32, #tpu.memory_space<hbm>>) dst(%arg6 : memref<1x32xf32, #tpu.memory_space<vmem>>)
      tpu.yield
    }) : () -> ()
    %get3A_106 = arith.constant 0 : i32
    %get3A_107 = arith.index_cast %get3A_106 : i32 to index
    %get3A_108 = arith.constant 0 : index
    %get3A_109 = tpu.vector_load %arg6[%get3A_107, %get3A_108] {strides = array<i32>} : memref<1x32xf32, #tpu.memory_space<vmem>>, vector<1x16xf32>,
    %get3A_110 = vector.shape_cast %get3A_109 : vector<1x16xf32> to vector<16xf32>
    %add3A_111 = arith.addf %add3A_97, %get3A_110 : vector<16xf32>
    %get3A_112 = arith.constant 0 : i32
    %get3A_113 = arith.index_cast %get3A_112 : i32 to index
    %get3A_114 = arith.constant 16 : index
    %get3A_115 = tpu.vector_load %arg6[%get3A_113, %get3A_114] {strides = array<i32>} : memref<1x32xf32, #tpu.memory_space<vmem>>, vector<1x16xf32>,
    %get3A_116 = vector.shape_cast %get3A_115 : vector<1x16xf32> to vector<16xf32>
    %add3A_117 = arith.addf %add3A_103, %get3A_116 : vector<16xf32>
    %lt3A = arith.constant 25 : i32
    %lt3A_118 = arith.cmpi slt, %add3A, %lt3A : i32
    %broadcast_in_dim3A_119 = arith.constant 0.000000e+00 : f32
    %broadcast_in_dim3A_120 = vector.broadcast %broadcast_in_dim3A_119 : f32 to vector<16xf32>
    %select_n3A = arith.select %lt3A_118, %add3A_111, %broadcast_in_dim3A_120 : vector<16xf32>
    %broadcast_in_dim3A_121 = arith.constant 0.000000e+00 : f32
    %broadcast_in_dim3A_122 = vector.broadcast %broadcast_in_dim3A_121 : f32 to vector<16xf32>
    %select_n3A_123 = arith.select %lt3A_118, %add3A_117, %broadcast_in_dim3A_122 : vector<16xf32>
    %swap3A = arith.constant 0 : index
    %swap3A_124 = tpu.vector_load %arg7[%swap3A] {strides = array<i32>} : memref<32xf32, #tpu.memory_space<vmem>>, vector<16xf32>,
    %swap3A_125 = vector.shape_cast %swap3A_124 : vector<16xf32> to vector<16xf32>
    %swap3A_126 = vector.shape_cast %select_n3A : vector<16xf32> to vector<16xf32>
    tpu.vector_store %arg7[%swap3A], %swap3A_126 {strides = array<i32>} : memref<32xf32, #tpu.memory_space<vmem>>, vector<16xf32>,
    %swap3A_127 = arith.constant 16 : index
    %swap3A_128 = tpu.vector_load %arg7[%swap3A_127] {strides = array<i32>} : memref<32xf32, #tpu.memory_space<vmem>>, vector<16xf32>,
    %swap3A_129 = vector.shape_cast %swap3A_128 : vector<16xf32> to vector<16xf32>
    %swap3A_130 = vector.shape_cast %select_n3A_123 : vector<16xf32> to vector<16xf32>
    tpu.vector_store %arg7[%swap3A_127], %swap3A_130 {strides = array<i32>} : memref<32xf32, #tpu.memory_space<vmem>>, vector<16xf32>,
    "tpu.region"() ({
      %run_scoped3A = tpu.sem_alloc : memref<!tpu.dma_semaphore, #tpu.memory_space<semaphore_mem>>
      %dma_start3A = arith.constant 0 : i32
      %dma_start3A_131 = tpu.memref_slice %arg4[%add3A, %dma_start3A] : memref<32x32xf32, #tpu.memory_space<hbm>> -> memref<1x32xf32, #tpu.memory_space<hbm>>
      %dma_start3A_132 = tpu.memref_squeeze %dma_start3A_131 : memref<1x32xf32, #tpu.memory_space<hbm>> -> memref<32xf32, #tpu.memory_space<hbm>>
      %dma_start3A_133 = arith.constant 0 : i32
      %dma_start3A_134 = tpu.memref_slice %arg4[%add3A, %dma_start3A_133] : memref<32x32xf32, #tpu.memory_space<hbm>> -> memref<1x32xf32, #tpu.memory_space<hbm>>
      %dma_start3A_135 = tpu.memref_squeeze %dma_start3A_134 : memref<1x32xf32, #tpu.memory_space<hbm>> -> memref<32xf32, #tpu.memory_space<hbm>>
      tpu.enqueue_dma source(%arg7 : memref<32xf32, #tpu.memory_space<vmem>>) target(%dma_start3A_135 : memref<32xf32, #tpu.memory_space<hbm>>) target_semaphore(%run_scoped3A : memref<!tpu.dma_semaphore, #tpu.memory_space<semaphore_mem>>)
      %dma_wait3A = arith.constant 0 : i32
      %dma_wait3A_136 = tpu.memref_slice %arg4[%add3A, %dma_wait3A] : memref<32x32xf32, #tpu.memory_space<hbm>> -> memref<1x32xf32, #tpu.memory_space<hbm>>
      %dma_wait3A_137 = tpu.memref_squeeze %dma_wait3A_136 : memref<1x32xf32, #tpu.memory_space<hbm>> -> memref<32xf32, #tpu.memory_space<hbm>>
      %dma_wait3A_138 = arith.constant 0 : i32
      %dma_wait3A_139 = tpu.memref_slice %arg4[%add3A, %dma_wait3A_138] : memref<32x32xf32, #tpu.memory_space<hbm>> -> memref<1x32xf32, #tpu.memory_space<hbm>>
      %dma_wait3A_140 = tpu.memref_squeeze %dma_wait3A_139 : memref<1x32xf32, #tpu.memory_space<hbm>> -> memref<32xf32, #tpu.memory_space<hbm>>
      tpu.wait_dma2 semaphore(%run_scoped3A : memref<!tpu.dma_semaphore, #tpu.memory_space<semaphore_mem>>) src(%arg7 : memref<32xf32, #tpu.memory_space<vmem>>) dst(%dma_wait3A_140 : memref<32xf32, #tpu.memory_space<hbm>>)
      tpu.yield
    }) : () -> ()
    return
  }
}

module attributes {stable_mosaic.version = 14 : i64} {
  func.func @_logits_body(%arg0: i32, %arg1: memref<32x32xf32, #tpu.memory_space<vmem>>, %arg2: memref<32x32768xf32, #tpu.memory_space<vmem>>, %arg3: memref<32768xf32, #tpu.memory_space<vmem>>, %arg4: memref<32768xf32, #tpu.memory_space<vmem>>) attributes {dimension_semantics = [#tpu.dimension_semantics<arbitrary>], iteration_bounds = array<i64: 31>, scalar_prefetch = 0 : i64, scratch_operands = 0 : i64, tpu.core_type = #tpu.core_type<tc>, window_params = [{pipeline_mode = #tpu.pipeline_mode<synchronous>, transform_indices = @transform_0, window_bounds = array<i64: 32, 32>}, {transform_indices = @transform_1, window_bounds = array<i64: 32, 32768>}, {transform_indices = @transform_2, window_bounds = array<i64: 32768>}, {transform_indices = @transform_3, window_bounds = array<i64: 32768>}]} {
    %get3A = arith.constant 0 : index
    %get3A_0 = arith.constant 0 : index
    %get3A_1 = vector.load %arg1[%get3A, %get3A_0] : memref<32x32xf32, #tpu.memory_space<vmem>>, vector<32x32xf32>
    %reduce_sum3A = arith.constant dense<0.000000e+00> : vector<32xf32>
    %reduce_sum3A_2 = vector.multi_reduction <add>, %get3A_1, %reduce_sum3A [0] : vector<32x32xf32> to vector<32xf32>
    %broadcast_in_dim3A = vector.shape_cast %reduce_sum3A_2 : vector<32xf32> to vector<1x32xf32>
    %transpose3A = tpu.transpose %broadcast_in_dim3A, [1, 0] : vector<1x32xf32> -> vector<32x1xf32>
    %get3A_3 = arith.constant 0 : index
    %get3A_4 = arith.constant 0 : index
    %get3A_5 = vector.load %arg2[%get3A_3, %get3A_4] : memref<32x32768xf32, #tpu.memory_space<vmem>>, vector<32x32768xf32>
    %mul3A = vector.broadcast %transpose3A : vector<32x1xf32> to vector<32x32768xf32>
    %mul3A_6 = arith.mulf %get3A_5, %mul3A : vector<32x32768xf32>
    %reduce_sum3A_7 = arith.constant dense<0.000000e+00> : vector<32768xf32>
    %reduce_sum3A_8 = vector.multi_reduction <add>, %mul3A_6, %reduce_sum3A_7 [0] : vector<32x32768xf32> to vector<32768xf32>
    %get3A_9 = arith.constant 0 : index
    %get3A_10 = vector.load %arg3[%get3A_9] : memref<32768xf32, #tpu.memory_space<vmem>>, vector<32768xf32>
    %add3A = arith.addf %reduce_sum3A_8, %get3A_10 : vector<32768xf32>
    %swap3A = arith.constant 0 : index
    %swap3A_11 = vector.load %arg4[%swap3A] : memref<32768xf32, #tpu.memory_space<vmem>>, vector<32768xf32>
    tpu.vector_store %arg4[%swap3A], %add3A {strides = array<i32>} : memref<32768xf32, #tpu.memory_space<vmem>>, vector<32768xf32>,
    return
  }
  func.func @transform_0(%arg0: i32) -> (i32, i32) {
    %c0_i32 = arith.constant 0 : i32
    %c0_i32_0 = arith.constant 0 : i32
    %c0_i32_1 = arith.constant 0 : i32
    return %c0_i32, %c0_i32_0 : i32, i32
  }
  func.func @transform_1(%arg0: i32) -> (i32, i32) {
    %c0_i32 = arith.constant 0 : i32
    %c0_i32_0 = arith.constant 0 : i32
    return %c0_i32, %arg0 : i32, i32
  }
  func.func @transform_2(%arg0: i32) -> i32 {
    %c0_i32 = arith.constant 0 : i32
    return %arg0 : i32
  }
  func.func @transform_3(%arg0: i32) -> i32 {
    %c0_i32 = arith.constant 0 : i32
    return %arg0 : i32
  }
}

module attributes {stable_mosaic.version = 14 : i64} {
  func.func @_logz_body(%arg0: memref<7936x128xf32, #tpu.memory_space<vmem>>, %arg1: memref<1x1xf32, #tpu.memory_space<smem>>) attributes {dimension_semantics = [], scalar_prefetch = 0 : i64, scratch_operands = 0 : i64, tpu.core_type = #tpu.core_type<tc>} {
    %get3A = arith.constant 0 : index
    %get3A_0 = arith.constant 0 : index
    %get3A_1 = vector.load %arg0[%get3A, %get3A_0] : memref<7936x128xf32, #tpu.memory_space<vmem>>, vector<7936x128xf32>
    %iota3A = tpu.iota {dimensions = array<i32: 0>} : vector<7936x128xi32>
    %mul3A = arith.constant 128 : i32
    %mul3A_2 = vector.broadcast %mul3A : i32 to vector<7936x128xi32>
    %mul3A_3 = arith.muli %iota3A, %mul3A_2 : vector<7936x128xi32>
    %iota3A_4 = tpu.iota {dimensions = array<i32: 1>} : vector<7936x128xi32>
    %add3A = arith.addi %mul3A_3, %iota3A_4 : vector<7936x128xi32>
    %lt3A = arith.constant 1000000 : i32
    %lt3A_5 = vector.broadcast %lt3A : i32 to vector<7936x128xi32>
    %lt3A_6 = arith.cmpi slt, %add3A, %lt3A_5 : vector<7936x128xi32>
    %jit3A = arith.constant -3.400000e+38 : f32
    %broadcast_in_dim3A = vector.broadcast %jit3A : f32 to vector<7936x128xf32>
    %select_n3A = arith.select %lt3A_6, %get3A_1, %broadcast_in_dim3A : vector<7936x128xi1>, vector<7936x128xf32>
    %reduce_max3A = vector.shape_cast %select_n3A : vector<7936x128xf32> to vector<1x7936x128xf32>
    %reduce_max3A_7 = arith.constant dense<0xFF800000> : vector<1xf32>
    %reduce_max3A_8 = vector.multi_reduction <maximumf>, %reduce_max3A, %reduce_max3A_7 [1, 2] : vector<1x7936x128xf32> to vector<1xf32>
    %reduce_max3A_9 = vector.shape_cast %reduce_max3A_8 : vector<1xf32> to vector<1x1x1xf32>
    %reduce_max3A_10 = vector.extract %reduce_max3A_9[0, 0, 0] : f32 from vector<1x1x1xf32>
    %sub3A = vector.broadcast %reduce_max3A_10 : f32 to vector<7936x128xf32>
    %sub3A_11 = arith.subf %select_n3A, %sub3A : vector<7936x128xf32>
    %exp3A = math.exp %sub3A_11 : vector<7936x128xf32>
    %reduce_sum3A = vector.shape_cast %exp3A : vector<7936x128xf32> to vector<1x7936x128xf32>
    %reduce_sum3A_12 = arith.constant dense<0.000000e+00> : vector<1xf32>
    %reduce_sum3A_13 = vector.multi_reduction <add>, %reduce_sum3A, %reduce_sum3A_12 [1, 2] : vector<1x7936x128xf32> to vector<1xf32>
    %reduce_sum3A_14 = vector.shape_cast %reduce_sum3A_13 : vector<1xf32> to vector<1x1x1xf32>
    %reduce_sum3A_15 = vector.extract %reduce_sum3A_14[0, 0, 0] : f32 from vector<1x1x1xf32>
    %log3A = math.log %reduce_sum3A_15 : f32
    %add3A_16 = arith.addf %reduce_max3A_10, %log3A : f32
    %swap3A = arith.constant 0 : index
    %swap3A_17 = arith.constant 0 : index
    %swap3A_18 = memref.load %arg1[%swap3A, %swap3A_17] : memref<1x1xf32, #tpu.memory_space<smem>>
    memref.store %add3A_16, %arg1[%swap3A, %swap3A_17] : memref<1x1xf32, #tpu.memory_space<smem>>
    return
  }
}

module attributes {stable_mosaic.version = 14 : i64} {
  func.func @_sub_body(%arg0: i32, %arg1: memref<131072xf32, #tpu.memory_space<vmem>>, %arg2: memref<1x1xf32, #tpu.memory_space<smem>>, %arg3: memref<131072xf32, #tpu.memory_space<vmem>>) attributes {dimension_semantics = [#tpu.dimension_semantics<arbitrary>], iteration_bounds = array<i64: 8>, scalar_prefetch = 0 : i64, scratch_operands = 0 : i64, tpu.core_type = #tpu.core_type<tc>, window_params = [{transform_indices = @transform_0, window_bounds = array<i64: 131072>}, {transform_indices = @transform_1, window_bounds = array<i64: 1, 1>}, {transform_indices = @transform_2, window_bounds = array<i64: 131072>}]} {
    %get3A = arith.constant 0 : index
    %get3A_0 = vector.load %arg1[%get3A] : memref<131072xf32, #tpu.memory_space<vmem>>, vector<131072xf32>
    %get3A_1 = arith.constant 0 : index
    %get3A_2 = arith.constant 0 : index
    %get3A_3 = memref.load %arg2[%get3A_1, %get3A_2] : memref<1x1xf32, #tpu.memory_space<smem>>
    %sub3A = vector.broadcast %get3A_3 : f32 to vector<131072xf32>
    %sub3A_4 = arith.subf %get3A_0, %sub3A : vector<131072xf32>
    %swap3A = arith.constant 0 : index
    %swap3A_5 = vector.load %arg3[%swap3A] : memref<131072xf32, #tpu.memory_space<vmem>>, vector<131072xf32>
    tpu.vector_store %arg3[%swap3A], %sub3A_4 {strides = array<i32>} : memref<131072xf32, #tpu.memory_space<vmem>>, vector<131072xf32>,
    return
  }
  func.func @transform_0(%arg0: i32) -> i32 {
    %c0_i32 = arith.constant 0 : i32
    return %arg0 : i32
  }
  func.func @transform_1(%arg0: i32) -> (i32, i32) {
    %c0_i32 = arith.constant 0 : i32
    %c0_i32_0 = arith.constant 0 : i32
    %c0_i32_1 = arith.constant 0 : i32
    return %c0_i32, %c0_i32_0 : i32, i32
  }
  func.func @transform_2(%arg0: i32) -> i32 {
    %c0_i32 = arith.constant 0 : i32
    return %arg0 : i32
  }
}

</mosaic_0001>

<sc_bundles>
// kernel: kernel.6.cloned.1.call-start
scs
__scs_entry_jumppad:
0x0: {  	(pc) =	sbr.rel $0x88, $3  }
0x1: {  	(tag) =	ssettag $0x0;
	lr =	simm.s32 $0x1  }
0x2: {  	[smem:$0x3F9D] =	sst lr;
	_ =	strace $0xD0000000  }
0x3: {  	_ = 	snop  }
0x4: {  	_ = 	snop  }
0x5: {  	_ = 	snop  }
0x6: {  	_ = 	snop  }
0x7: {  	_ = 	snop  }
__scs_overlays_trampoline_lowered:
0x8: {  	[smem:$0x3FAC] =	sst s0  }
0x9: {  	[smem:$0x3FAD] =	sst s1  }
0xa: {  	[smem:$0x3FAE] =	sst s2  }
0xb: {  	[smem:$0x3FAF] =	sst s3  }
0xc: {  	[smem:$0x3FB0] =	sst s4  }
0xd: {  	[smem:$0x3FB1] =	sst s5  }
0xe: {  	[smem:$0x3FB2] =	sst s6  }
0xf: {  	[smem:$0x3FB3] =	sst s7  }
0x10: {  	[smem:$0x3FB4] =	sst s8  }
0x11: {  	[smem:$0x3FB5] =	sst s9;
	s0 =	simm.s32 @!p0 $0x0  }
0x12: {  	s1 =	sld [smem:$0x3F9B];
	s0 =	simm.s32 @p0 $0x1  }
0x13: {  	[smem:$0x3FB6] =	sst s0;
	s0 =	simm.s32 @!p1 $0x0  }
0x14: {  	s2 =	sld [smem:$0x3F9A];
	s0 =	simm.s32 @p1 $0x1  }
0x15: {  	[smem:$0x3FB7] =	sst s0;
	s0 =	simm.s32 @!p2 $0x0  }
0x16: {  	s3 =	sld [smem:$0x3FDB];
	s0 =	simm.s32 @p2 $0x1  }
0x17: {  	s4 =	simm.s32 $0x1BF5;
	[smem:$0x3FB9] =	sst s0  }
0x18: {  	s0 =	sld [smem:$0x3F9C];
	_ =	swait.ge [sflag:s4], $0x0  }
0x19: {  	s7 =	sld [smem:$0x3F9D]  }
0x1a: {  	s8 =	sadd.s32 $0xFFFFE003, lr  }
0x1b: {  	s9 =	sadd.s32 $0xFFFFFEF7, lr;
	s5 =	simm.s32 $0xFFFFFFFF;
	p2 =	slt.u32 s8, $0xFFFFF086  }
0x1c: {  	p1 =	slt.u32 s9, $0xF7A;
	s5 =	simm.s32 @!p2 $0x0  }
0x1d: {  	s5 =	simm.s32 @p1 $0x1;
	p0 =	seq.s32 s7, s2  }
0x1e: {  	s7 =	smul.u32 @!p0 $0xF7A, s2;
	p2 =	seq.s32 @!p0 s5, $0x0  }
0x1f: {  	s9 =	smul.u32 $0xF7A, s1;
	s8 =	simm.s32 @!p0 $0x1BF5;
	p2 =	por !p2, p0  }
0x20: {  	[sflag:s8] =	ssyncset.s32 @!p0 $0xFFFFF086;
	s6 =	sadd.s32 @!p0 s3, s7;
	s7 =	simm.s32 @!p0 $0x108  }
0x21: {  	s3 =	sadd.s32 s3, s9;
	s6 =	sadd.s32 @!p0 $0x88, s6;
	s7 =	simm.s32 @p2 $0x1082  }
0x22: {  	[simem:s7], [sflag:s8] =	dma.local @!p0 [hbm:s6], $0xF7A  }
0x23: {  	s9 =	sor.u32 $0xD0000000, s2;
	s6 =	simm.s32 $0x108;
	_ =	swait.ge @!p0 [sflag:s8], $0x0  }
0x24: {  	s3 =	sadd.s32 $0x88, s3;
	s6 =	simm.s32 @!p1 $0x1082;
	[sflag:s4] =	ssyncset.s32 $0xFFFFF086  }
0x25: {  	[simem:s6], [sflag:s4] =	dma.local [hbm:s3], $0xF7A  }
0x26: {  	[smem:$0x3F9D] =	sst s1;
	(tag) =	ssettag s2;
	_ =	strace s9  }
0x27: {  	s1 =	sld [smem:$0x3FAD]  }
0x28: {  	s2 =	sld [smem:$0x3FAE]  }
0x29: {  	s4 =	sld [smem:$0x3FB0]  }
0x2a: {  	p0 =	seq.s32 s5, $0x0;
	s5 =	sld [smem:$0x3FB1]  }
0x2b: {  	s6 =	sld [smem:$0x3FB2]  }
0x2c: {  	s7 =	sld [smem:$0x3FB3]  }
0x2d: {  	s3 =	simm.s32 $0x108;
	s8 =	sld [smem:$0x3FB4]  }
0x2e: {  	s3 =	simm.s32 @!p0 $0x1082;
	s9 =	sld [smem:$0x3FB5]  }
0x2f: {  	lr =	sadd.s32 s0, s3;
	s0 =	sld [smem:$0x3FAC]  }
0x30: {  	s3 =	sld [smem:$0x3FAF]  }
0x31: {  	[smem:$0x3FB8] =	sst s10  }
0x32: {  	s10 =	sld [smem:$0x3FB6];
	_ =	sdelay $0x3  }
0x33: {  	p0 =	seq.s32 s10, $0x1;
	s10 =	sld [smem:$0x3FB8];
	_ =	sdelay $0x3  }
0x34: {  	[smem:$0x3FB8] =	sst s10  }
0x35: {  	s10 =	sld [smem:$0x3FB7];
	_ =	sdelay $0x3  }
0x36: {  	p1 =	seq.s32 s10, $0x1;
	s10 =	sld [smem:$0x3FB8];
	_ =	sdelay $0x3  }
0x37: {  	[smem:$0x3FB8] =	sst s10  }
0x38: {  	s10 =	sld [smem:$0x3FB9]  }
0x39: {  	_ = 	snop;
	(pc) =	sbr.ind lr, $3  }
0x3a: {  	_ = 	snop  }
0x3b: {  	_ = 	snop  }
0x3c: {  	p2 =	seq.s32 s10, $0x1;
	s10 =	sld [smem:$0x3FB8]  }
0x3d: {  	_ =	shalt  }
0x3e: {  	_ =	shalt  }
0x3f: {  	_ =	shalt  }
0x40: {  	_ =	shalt  }
0x41: {  	_ =	shalt  }
0x42: {  	_ =	shalt  }
0x43: {  	_ =	shalt  }
0x44: {  	_ =	shalt  }
0x45: {  	_ =	shalt  }
0x46: {  	_ =	shalt  }
0x47: {  	_ =	shalt  }
0x48: {  	_ =	shalt  }
0x49: {  	_ =	shalt  }
0x4a: {  	_ =	shalt  }
0x4b: {  	_ =	shalt  }
0x4c: {  	_ =	shalt  }
0x4d: {  	_ =	shalt  }
0x4e: {  	_ =	shalt  }
0x4f: {  	_ =	shalt  }
0x50: {  	_ =	shalt  }
0x51: {  	_ =	shalt  }
0x52: {  	_ =	shalt  }
0x53: {  	_ =	shalt  }
0x54: {  	_ =	shalt  }
0x55: {  	_ =	shalt  }
0x56: {  	_ =	shalt  }
0x57: {  	_ =	shalt  }
0x58: {  	_ =	shalt  }
0x59: {  	_ =	shalt  }
0x5a: {  	_ =	shalt  }
0x5b: {  	_ =	shalt  }
0x5c: {  	_ =	shalt  }
0x5d: {  	_ =	shalt  }
0x5e: {  	_ =	shalt  }
0x5f: {  	_ =	shalt  }
0x60: {  	_ =	shalt  }
0x61: {  	_ =	shalt  }
0x62: {  	_ =	shalt  }
0x63: {  	_ =	shalt  }
0x64: {  	_ =	shalt  }
0x65: {  	_ =	shalt  }
0x66: {  	_ =	shalt  }
0x67: {  	_ =	shalt  }
0x68: {  	_ =	shalt  }
0x69: {  	_ =	shalt  }
0x6a: {  	_ =	shalt  }
0x6b: {  	_ =	shalt  }
0x6c: {  	_ =	shalt  }
0x6d: {  	_ =	shalt  }
0x6e: {  	_ =	shalt  }
0x6f: {  	_ =	shalt  }
0x70: {  	_ =	shalt  }
0x71: {  	_ =	shalt  }
0x72: {  	_ =	shalt  }
0x73: {  	_ =	shalt  }
0x74: {  	_ =	shalt  }
0x75: {  	_ =	shalt  }
0x76: {  	_ =	shalt  }
0x77: {  	_ =	shalt  }
0x78: {  	_ =	shalt  }
0x79: {  	_ =	shalt  }
0x7a: {  	_ =	shalt  }
0x7b: {  	_ =	shalt  }
0x7c: {  	_ =	shalt  }
0x7d: {  	_ =	shalt  }
0x7e: {  	_ =	shalt  }
0x7f: {  	_ =	shalt  }
0x80: {  	_ =	shalt  }
0x81: {  	_ =	shalt  }
0x82: {  	_ =	shalt  }
0x83: {  	_ =	shalt  }
0x84: {  	_ =	shalt  }
0x85: {  	_ =	shalt  }
0x86: {  	_ =	shalt  }
0x87: {  	_ =	shalt  }
.Lfunc_end0:
.L_simem_size_0:
called_computation_lowered:
.L_overlay_start_0:
0x88: {  	s2 =	sld [smem:$0x3FD9]  }
0x89: {  	s3 =	sld [smem:$0x3FFE];
	_ =	sdelay $0x1  }
0x8a: {  	s1 =	srdreg.scid  }
0x8b: {  	s0 =	sand.u32 $0x1, s1  }
0x8c: {  	s17 =	sshll.u32 s0, $0xA;
	s2 =	sadd.s32 s3, s2  }
0x8d: {  	s2 =	sadd.s32 s2, s17  }
0x8e: {  	[smem:$0x3FC4] =	sst s2  }
0x8f: {  	_ = 	snop  }
0x90: {  	s2 =	sld [smem:$0x3FD0];
	(tm) =	ssettm $0x1  }
0x91: {  	s18 =	sld [smem:$0x3FFB];
	_ =	sdelay $0x3  }
0x92: {  	_ =	strace s18  }
0x93: {  	s3 =	sld [smem:$0x3FFC];
	_ =	sdelay $0x3  }
0x94: {  	_ =	strace s3  }
0x95: {  	s3 =	sld [smem:$0x3FFD];
	_ =	sdelay $0x3  }
0x96: {  	_ =	strace s3  }
0x97: {  	_ =	strace $0x8FFFFFFF  }
0x98: {  	s19 =	sld [smem:$0x3FDB];
	_ =	sdelay $0x1  }
0x99: {  	s4 =	simm.s32 $_scs_section_size  }
0x9a: {  	s5 =	simm.s32 $_size__tile_overlayer_lowered;
	s6 =	simm.s32 $_tile_overlayer_lowered  }
0x9b: {  	s22 =	simm.s32 $0x1BFF;
	s21 =	sshll.u32 s6, $0x1;
	s3 =	sadd.s32 s4, s19  }
0x9c: {  	s7 =	simm.s32 $0x0;
	s20 =	sshll.u32 s5, $0x1;
	s5 =	sadd.s32 s21, s3  }
0x9d: {  	[timem:s7], [sflag:s22] =	dma.local [hbm:s5], s20  }
0x9e: {  	_ =	swait.ge [sflag:s22], s20  }
0x9f: {  	s4 =	ssub.s32 $0x0, s20;
	[sflag:s22] =	ssyncset.done $0x0  }
0xa0: {  	[sflag:s22] =	ssyncadd.s32 s4;
	_ =	sdelay $0x1  }
0xa1: {  	s23 =	simm.s32 $0x1B8B  }
0xa2: {  	_ =	swait.ge [sflag:s23], $0x1  }
0xa3: {  	[sflag:s23] =	ssyncset.done $0x0  }
0xa4: {  	s25 =	simm.s32 $0x1B8E;
	s24 =	sld [smem:$0x3FFE];
	[sflag:s23] =	ssyncadd.s32 $0xFFFFFFFF  }
0xa5: {  	s26 =	simm.s32 $execute0_lowered;
	[smem:$0x3FD2] =	sst s25  }
0xa6: {  	s5 =	sshll.u32 s26, $0x1;
	_ =	strace $0x80000046;
	[dreg:$0x1] =	wrdreg $0xFFFFFFFF  }
0xa7: {  	s28 =	simm.s32 $_size_execute0_lowered;
	s3 =	sadd.s32 s3, s5;
	[dreg:$0x0] =	wrdreg $0x0  }
0xa8: {  	s5 =	sshll.u32 s28, $0x1;
	[dreg:$0x2] =	wrdreg s3  }
0xa9: {  	[dreg:$0x3] =	wrdreg s5  }
0xaa: {  	[dreg:$0x4] =	wrdreg $0xC0  }
0xab: {  	_ =	task [dreg:s7], $0x5FFFF  }
0xac: {  	[dreg:$0x1] =	wrdreg $0xFFFFFFFF  }
0xad: {  	[dreg:$0x0] =	wrdreg $0x60  }
0xae: {  	[dreg:$0x2] =	wrdreg s24  }
0xaf: {  	[dreg:$0x3] =	wrdreg s2  }
0xb0: {  	[dreg:$0x4] =	wrdreg $0x9  }
0xb1: {  	_ =	task.clear_ibuf [dreg:s7], $0x5FFFF;
	_ =	strace $0x90000046  }
0xb2: {  	s29 =	simm.s32 $0x9;
	_ =	strace $0x80000048  }
0xb3: {  	_ =	swait.ge [sflag:s29], $0x1  }
0xb4: {  	[sflag:s29] =	ssyncadd.s32 $0xFFFFFFFF  }
0xb5: {  	_ =	strace $0x90000048  }
0xb6: {  	_ =	sfence  }
0xb7: {  	s30 =	sld [smem:$0x0];
	_ =	sdelay $0x2  }
0xb8: {  	s31 =	sshll.u32 s1, $0xD;
	s1 =	sshrl.u32 s1, $0x2  }
0xb9: {  	s3 =	sand.u32 $0x4000, s31;
	s1 =	sadd.s32 s1, s30  }
0xba: {  	s0 =	sor.u32 s3, s0;
	s1 =	sshll.u32 s1, $0x11  }
0xbb: {  	s0 =	sor.u32 s1, s0  }
0xbc: {  	s0 =	sadd.s32 $0x8F2B, s0  }
0xbd: {  	[sflag:s0] =	ssyncadd.remote.s32 $0x1  }
0xbe: {  	_ =	sfence.sel $0xFFFF  }
0xbf: {  	[dreg:$0x0] =	wrdreg $0xFFFFFFFF;
	(pc) =	sbr.abs _section_cstart, $3  }
0xc0: {  	[dreg:$0x1] =	wrdreg $0xFFFFFFFF  }
0xc1: {  	_ =	task.clear_ibuf [dreg:s7], $0x2FFFF;
	_ =	strace $0x9FFFFFFF  }
0xc2: {  	(tm) =	ssettm $0x7FFFFFFF  }
0xc3: {  	_ =	shalt  }
tec
execute0_lowered:
.L_overlay_start_1:
0x0: {  	(tag) =	ssettag $0x1  }
0x1: {  	s5 =	rddreg [dreg:$0x0]  }
0x2: {  	s1 =	srdreg.scid;
	s0 =	stileid.u32  }
0x3: {  	s7 =	rddreg [dreg:$0x1];
	s9 =	sand.u32 $0x1, s1;
	s3 =	sshll.u32 s0, $0x1  }
0x4: {  	s2 =	simm.s32 $0x0;
	s1 =	rddreg [dreg:$0x2];
	s8 =	sor.u32 s9, s3  }
0x5: {  	[smem:$0x7FF] =	sst s2;
	s3 =	sadd.s32 s8, s5  }
0x6: {  	_ =	strace $0x80000047;
	s4 =	sadd.s32 $0xF42E00, s3;
	s3 =	simm.s32 $0x1  }
0x7: {  	[tilespmem:s2], [sflag:$0x1] =	stream.linear.gather [hbm4b:s4+s2], $0x8, $0x38;
	[tilespmem:$0x180] =	vst v63  }
0x8: {  	_ =	swait.ge [sflag:s3], $0x8  }
0x9: {  	[sflag:s3] =	ssyncset.done $0x0  }
0xa: {  	[sflag:s3] =	ssyncadd.s32 $0xFFFFFFF8  }
0xb: {  	v0 =	vld [tilespmem:$0x0];
	_ =	sdelay $0x4  }
0xc: {  	v0 =	vshll.u32 v0, $0x4  }
0xd: {  	(v2sf) =	vpush v0, $0x0  }
0xe: {  	(v2sf) =	vpush v0, $0x1  }
0xf: {  	(v2sf) =	vpush v0, $0x2;
	_ =	sdelay $0x2  }
0x10: {  	(v2sf) =	vpush v0, $0x3  }
0x11: {  	(v2sf) =	vpush v0, $0x4  }
0x12: {  	(v2sf) =	vpush v0, $0x5;
	_ =	sdelay $0x1  }
0x13: {  	(v2sf) =	vpush v0, $0x6  }
0x14: {  	(v2sf) =	vpush v0, $0x7;
	_ =	sdelay $0x4  }
0x15: {  	s6 =	spop (v2sf)  }
0x16: {  	s5 =	sadd.s32 $0xA00, s5;
	s10 =	sand.u32 $0x1FFFFFF0, s6;
	s11 =	spop (v2sf)  }
0x17: {  	s6 =	simm.s32 $0x80;
	s10 =	sadd.s32 s5, s10;
	s12 =	spop (v2sf)  }
0x18: {  	[tilespmem:s6], [sflag:$0x1] =	stream.linear.gather [hbm4b:s10+s2], $0x80, $0x38;
	[tilespmem:$0x180] =	vst v63  }
0x19: {  	_ =	swait.ge [sflag:s3], $0x80  }
0x1a: {  	s23 =	spop (v2sf);
	[sflag:s3] =	ssyncset.done $0x0  }
0x1b: {  	s11 =	sand.u32 $0x1FFFFFF0, s11;
	s13 =	spop (v2sf);
	[sflag:s3] =	ssyncadd.s32 $0xFFFFFF80  }
0x1c: {  	s11 =	sadd.s32 s5, s11;
	s14 =	spop (v2sf);
	v0 =	vld [tilespmem:$0x90]  }
0x1d: {  	v1 =	vld [tilespmem:$0x80];
	[tilespmem:s6], [sflag:$0x1] =	stream.linear.gather [hbm4b:s11+s2], $0x80, $0x38  }
0x1e: {  	s15 =	spop (v2sf)  }
0x1f: {  	s16 =	spop (v2sf)  }
0x20: {  	_ =	swait.ge [sflag:s3], $0x80  }
0x21: {  	[sflag:s3] =	ssyncset.done $0x0  }
0x22: {  	s24 =	sand.u32 $0x1FFFFFF0, s12;
	[sflag:s3] =	ssyncadd.s32 $0xFFFFFF80  }
0x23: {  	s11 =	sadd.s32 s5, s24;
	v2 =	vld [tilespmem:$0x90]  }
0x24: {  	v3 =	vld [tilespmem:$0x80];
	[tilespmem:s6], [sflag:$0x1] =	stream.linear.gather [hbm4b:s11+s2], $0x80, $0x38  }
0x25: {  	_ =	swait.ge [sflag:s3], $0x80  }
0x26: {  	[sflag:s3] =	ssyncset.done $0x0  }
0x27: {  	s10 =	sand.u32 $0x1FFFFFF0, s23;
	[sflag:s3] =	ssyncadd.s32 $0xFFFFFF80  }
0x28: {  	s10 =	sadd.s32 s5, s10;
	v4 =	vld [tilespmem:$0x90]  }
0x29: {  	v5 =	vld [tilespmem:$0x80];
	[tilespmem:s6], [sflag:$0x1] =	stream.linear.gather [hbm4b:s10+s2], $0x80, $0x38  }
0x2a: {  	_ =	swait.ge [sflag:s3], $0x80  }
0x2b: {  	[sflag:s3] =	ssyncset.done $0x0  }
0x2c: {  	s25 =	sand.u32 $0x1FFFFFF0, s13;
	[sflag:s3] =	ssyncadd.s32 $0xFFFFFF80  }
0x2d: {  	s10 =	sadd.s32 s5, s25;
	v6 =	vld [tilespmem:$0x90]  }
0x2e: {  	v7 =	vld [tilespmem:$0x80];
	[tilespmem:s6], [sflag:$0x1] =	stream.linear.gather [hbm4b:s10+s2], $0x80, $0x38  }
0x2f: {  	_ =	swait.ge [sflag:s3], $0x80  }
0x30: {  	[sflag:s3] =	ssyncset.done $0x0  }
0x31: {  	s26 =	sand.u32 $0x1FFFFFF0, s14;
	[sflag:s3] =	ssyncadd.s32 $0xFFFFFF80  }
0x32: {  	s10 =	sadd.s32 s5, s26;
	v8 =	vld [tilespmem:$0x90]  }
0x33: {  	v9 =	vld [tilespmem:$0x80];
	[tilespmem:s6], [sflag:$0x1] =	stream.linear.gather [hbm4b:s10+s2], $0x80, $0x38  }
0x34: {  	_ =	swait.ge [sflag:s3], $0x80  }
0x35: {  	[sflag:s3] =	ssyncset.done $0x0  }
0x36: {  	s28 =	sand.u32 $0x1FFFFFF0, s15;
	v0 =	vadd.f32 $0.0e+00, v0;
	v1 =	vadd.f32 $0.0e+00, v1;
	[sflag:s3] =	ssyncadd.s32 $0xFFFFFF80  }
0x37: {  	s9 =	ssub.s32 $0x2, s9;
	s10 =	sadd.s32 s5, s28;
	v10 =	vld [tilespmem:$0x90]  }
0x38: {  	v0 =	vadd.f32 v2, v0;
	v1 =	vadd.f32 v3, v1;
	v11 =	vld [tilespmem:$0x80];
	[tilespmem:s6], [sflag:$0x1] =	stream.linear.gather [hbm4b:s10+s2], $0x80, $0x38  }
0x39: {  	s30 =	sshrl.u32 s9, $0x1;
	_ =	swait.ge [sflag:s3], $0x80  }
0x3a: {  	s9 =	ssub.s32 s9, s30;
	v0 =	vadd.f32 v4, v0;
	v1 =	vadd.f32 v5, v1;
	[sflag:s3] =	ssyncset.done $0x0  }
0x3b: {  	s9 =	smax.u32 s9, $0x1;
	s29 =	sand.u32 $0x1FFFFFF0, s16;
	[sflag:s3] =	ssyncadd.s32 $0xFFFFFF80  }
0x3c: {  	p1 =	sne.s32 s9, $0x1;
	v0 =	vadd.f32 v6, v0;
	v1 =	vadd.f32 v7, v1;
	s10 =	sadd.s32 s5, s29;
	v2 =	vld [tilespmem:$0x90]  }
0x3d: {  	v3 =	vld [tilespmem:$0x80];
	[tilespmem:s6], [sflag:$0x1] =	stream.linear.gather [hbm4b:s10+s2], $0x80, $0x38  }
.Ltmp0:
0x3e: {  	v0 =	vadd.f32 v8, v0;
	v1 =	vadd.f32 v9, v1;
	_ =	swait.ge [sflag:s3], $0x80;
	(pc) =	sbr.rel @!p1 .LBB2_2-.Ltmp0, $4  }
0x3f: {  	[sflag:s3] =	ssyncset.done $0x0  }
0x40: {  	v0 =	vadd.f32 v10, v0;
	v4 =	vadd.f32 v11, v1;
	[sflag:s3] =	ssyncadd.s32 $0xFFFFFF80  }
0x41: {  	s31 =	sshll.u32 s8, $0x4;
	p0 =	slt.u32 s8, $0x19;
	v1 =	vld [tilespmem:$0x80]  }
0x42: {  	s8 =	simm.s32 $0x100;
	s7 =	sadd.s32 s7, s31;
	s9 =	sadd.s32 $0xFFFFFFFF, s9;
	v0 =	vadd.f32 v2, v0;
	v2 =	vadd.f32 v3, v4;
	v3 =	vld [tilespmem:$0x90]  }
.LBB2_1:
0x43: {  	_ =	sdelay $0x2  }
0x44: {  	p1 =	sne.s32 s9, $0x1;
	s9 =	sadd.s32 $0xFFFFFFFF, s9;
	v1 =	vadd.f32 v1, v2  }
0x45: {  	v0 =	vadd.f32 v3, v0  }
0x46: {  	v1 =	vpsel !p0, $0x0, v1  }
0x47: {  	v0 =	vpsel !p0, $0x0, v0;
	[tilespmem:$0x100] =	vst v1  }
0x48: {  	[tilespmem:$0x110] =	vst v0  }
0x49: {  	[hbm4b:s7+s2] =	stream.linear.scatter [tilespmem:s8], [sflag:$0x1], $0x80, $0x38;
	[tilespmem:$0x180] =	vst v63  }
0x4a: {  	_ =	swait.ge [sflag:s3], $0x80  }
0x4b: {  	[sflag:s3] =	ssyncset.done $0x0  }
0x4c: {  	[sflag:s3] =	ssyncadd.s32 $0xFFFFFF80  }
0x4d: {  	[tilespmem:s2], [sflag:$0x1] =	stream.linear.gather [hbm4b:s4+s2], $0x8, $0x38;
	[tilespmem:$0x180] =	vst v63  }
0x4e: {  	_ =	swait.ge [sflag:s3], $0x8  }
0x4f: {  	[sflag:s3] =	ssyncset.done $0x0  }
0x50: {  	[sflag:s3] =	ssyncadd.s32 $0xFFFFFFF8  }
0x51: {  	v0 =	vld [tilespmem:$0x0];
	_ =	sdelay $0x4  }
0x52: {  	v0 =	vshll.u32 v0, $0x4  }
0x53: {  	(v2sf) =	vpush v0, $0x0  }
0x54: {  	(v2sf) =	vpush v0, $0x1  }
0x55: {  	(v2sf) =	vpush v0, $0x2;
	_ =	sdelay $0x1  }
0x56: {  	(v2sf) =	vpush v0, $0x3  }
0x57: {  	(v2sf) =	vpush v0, $0x4  }
0x58: {  	(v2sf) =	vpush v0, $0x5  }
0x59: {  	(v2sf) =	vpush v0, $0x6  }
0x5a: {  	(v2sf) =	vpush v0, $0x7;
	_ =	sdelay $0x6  }
0x5b: {  	s10 =	spop (v2sf)  }
0x5c: {  	s10 =	sand.u32 $0x1FFFFFF0, s10;
	s11 =	spop (v2sf)  }
0x5d: {  	s10 =	sadd.s32 s5, s10;
	s11 =	sand.u32 $0x1FFFFFF0, s11;
	s12 =	spop (v2sf)  }
0x5e: {  	[tilespmem:s6], [sflag:$0x1] =	stream.linear.gather [hbm4b:s10+s2], $0x80, $0x38;
	[tilespmem:$0x180] =	vst v63  }
0x5f: {  	_ =	swait.ge [sflag:s3], $0x80  }
0x60: {  	s12 =	sand.u32 $0x1FFFFFF0, s12;
	s10 =	spop (v2sf)  }
0x61: {  	[sflag:s3] =	ssyncset.done $0x0;
	s13 =	sand.u32 $0x1FFFFFF0, s10;
	s10 =	spop (v2sf)  }
0x62: {  	[sflag:s3] =	ssyncadd.s32 $0xFFFFFF80;
	s14 =	sand.u32 $0x1FFFFFF0, s10;
	s10 =	spop (v2sf)  }
0x63: {  	s11 =	sadd.s32 s5, s11;
	v0 =	vld [tilespmem:$0x90];
	s15 =	sand.u32 $0x1FFFFFF0, s10;
	s10 =	spop (v2sf)  }
0x64: {  	v1 =	vld [tilespmem:$0x80];
	s16 =	sand.u32 $0x1FFFFFF0, s10;
	s10 =	spop (v2sf)  }
0x65: {  	[tilespmem:s6], [sflag:$0x1] =	stream.linear.gather [hbm4b:s11+s2], $0x80, $0x38;
	[tilespmem:$0x180] =	vst v63  }
0x66: {  	s10 =	sand.u32 $0x1FFFFFF0, s10;
	_ =	swait.ge [sflag:s3], $0x80  }
0x67: {  	[sflag:s3] =	ssyncset.done $0x0  }
0x68: {  	s11 =	sadd.s32 s5, s12;
	[sflag:s3] =	ssyncadd.s32 $0xFFFFFF80  }
0x69: {  	v2 =	vld [tilespmem:$0x90]  }
0x6a: {  	v3 =	vld [tilespmem:$0x80]  }
0x6b: {  	[tilespmem:s6], [sflag:$0x1] =	stream.linear.gather [hbm4b:s11+s2], $0x80, $0x38;
	[tilespmem:$0x180] =	vst v63  }
0x6c: {  	_ =	swait.ge [sflag:s3], $0x80  }
0x6d: {  	s11 =	sadd.s32 s5, s13;
	[sflag:s3] =	ssyncset.done $0x0  }
0x6e: {  	[sflag:s3] =	ssyncadd.s32 $0xFFFFFF80  }
0x6f: {  	v4 =	vld [tilespmem:$0x90]  }
0x70: {  	v5 =	vld [tilespmem:$0x80]  }
0x71: {  	[tilespmem:s6], [sflag:$0x1] =	stream.linear.gather [hbm4b:s11+s2], $0x80, $0x38;
	[tilespmem:$0x180] =	vst v63  }
0x72: {  	s11 =	sadd.s32 s5, s14;
	_ =	swait.ge [sflag:s3], $0x80  }
0x73: {  	[sflag:s3] =	ssyncset.done $0x0  }
0x74: {  	[sflag:s3] =	ssyncadd.s32 $0xFFFFFF80  }
0x75: {  	v6 =	vld [tilespmem:$0x90]  }
0x76: {  	s12 =	sadd.s32 s5, s15;
	v7 =	vld [tilespmem:$0x80]  }
0x77: {  	[tilespmem:s6], [sflag:$0x1] =	stream.linear.gather [hbm4b:s11+s2], $0x80, $0x38;
	[tilespmem:$0x180] =	vst v63  }
0x78: {  	_ =	swait.ge [sflag:s3], $0x80  }
0x79: {  	[sflag:s3] =	ssyncset.done $0x0  }
0x7a: {  	[sflag:s3] =	ssyncadd.s32 $0xFFFFFF80  }
0x7b: {  	v8 =	vld [tilespmem:$0x90]  }
0x7c: {  	s11 =	sadd.s32 s5, s16;
	v9 =	vld [tilespmem:$0x80]  }
0x7d: {  	v0 =	vadd.f32 $0.0e+00, v0;
	v1 =	vadd.f32 $0.0e+00, v1;
	[tilespmem:s6], [sflag:$0x1] =	stream.linear.gather [hbm4b:s12+s2], $0x80, $0x38;
	[tilespmem:$0x180] =	vst v63  }
0x7e: {  	_ =	swait.ge [sflag:s3], $0x80  }
0x7f: {  	v0 =	vadd.f32 v2, v0;
	v1 =	vadd.f32 v3, v1;
	[sflag:s3] =	ssyncset.done $0x0  }
0x80: {  	[sflag:s3] =	ssyncadd.s32 $0xFFFFFF80  }
0x81: {  	s10 =	sadd.s32 s5, s10;
	v0 =	vadd.f32 v4, v0;
	v1 =	vadd.f32 v5, v1;
	v2 =	vld [tilespmem:$0x90]  }
0x82: {  	v3 =	vld [tilespmem:$0x80]  }
0x83: {  	v0 =	vadd.f32 v6, v0;
	v1 =	vadd.f32 v7, v1;
	[tilespmem:s6], [sflag:$0x1] =	stream.linear.gather [hbm4b:s11+s2], $0x80, $0x38;
	[tilespmem:$0x180] =	vst v63  }
0x84: {  	_ =	swait.ge [sflag:s3], $0x80  }
0x85: {  	v0 =	vadd.f32 v8, v0;
	v1 =	vadd.f32 v9, v1;
	[sflag:s3] =	ssyncset.done $0x0  }
0x86: {  	[sflag:s3] =	ssyncadd.s32 $0xFFFFFF80  }
0x87: {  	v0 =	vadd.f32 v2, v0;
	v2 =	vld [tilespmem:$0x90];
	v1 =	vadd.f32 v3, v1  }
0x88: {  	v3 =	vld [tilespmem:$0x80]  }
0x89: {  	[tilespmem:s6], [sflag:$0x1] =	stream.linear.gather [hbm4b:s10+s2], $0x80, $0x38;
	[tilespmem:$0x180] =	vst v63  }
.Ltmp1:
0x8a: {  	_ =	swait.ge [sflag:s3], $0x80;
	(pc) =	sbr.rel @p1 .LBB2_1-.Ltmp1, $4  }
0x8b: {  	[sflag:s3] =	ssyncset.done $0x0  }
0x8c: {  	v0 =	vadd.f32 v2, v0;
	[sflag:s3] =	ssyncadd.s32 $0xFFFFFF80  }
0x8d: {  	v2 =	vadd.f32 v3, v1;
	v1 =	vld [tilespmem:$0x80]  }
0x8e: {  	v3 =	vld [tilespmem:$0x90]  }
.LBB2_2:
0x8f: {  	_ =	sdelay $0x2  }
0x90: {  	v1 =	vadd.f32 v1, v2  }
0x91: {  	v0 =	vadd.f32 v3, v0  }
0x92: {  	v1 =	vpsel !p0, $0x0, v1  }
0x93: {  	v0 =	vpsel !p0, $0x0, v0;
	[tilespmem:$0x100] =	vst v1  }
0x94: {  	[tilespmem:$0x110] =	vst v0  }
0x95: {  	[hbm4b:s7+s2] =	stream.linear.scatter [tilespmem:s8], [sflag:$0x1], $0x80, $0x38;
	[tilespmem:$0x180] =	vst v63  }
0x96: {  	_ =	swait.ge [sflag:s3], $0x80  }
0x97: {  	[sflag:s3] =	ssyncset.done $0x0  }
0x98: {  	[sflag:s3] =	ssyncadd.s32 $0xFFFFFF80  }
0x99: {  	_ =	sfence.sel $0x180000  }
0x9a: {  	[bflag:$0x0] =	sbarrier.arrive $0xFFFF  }
0x9b: {  	p0 =	sne.s32 s0, $0x0;
	_ =	strace $0x90000047  }
0x9c: {  	s0 =	sadd.s32 @!p0 $0x100000, s1;
	[bflag:$0x2] =	sbarrier.arrive $0xFFFF  }
0x9d: {  	[sflag:s0] =	ssyncadd.tile.s32 @!p0 $0x1;
	_ =	shalt  }
.Lfunc_end2:
_tile_overlayer_lowered:
.L_overlay_start_2:
0x9e: {  	(tag) =	ssettag $0x2  }
0x9f: {  	s0 =	rddreg [dreg:$0x0];
	s2 =	stileid.u32  }
0xa0: {  	s1 =	rddreg [dreg:$0x1];
	p0 =	sne.s32 s2, $0x0  }
0xa1: {  	s3 =	rddreg [dreg:$0x2];
	[bflag:$0x3] =	sbarrier.arrive $0xFFFF;
	s2 =	simm.s32 @!p0 $0x1C01  }
0xa2: {  	[timem:s3], [sflag:s2] =	dma.local @!p0 [hbm:s0], s1  }
0xa3: {  	s0 =	simm.s32 @!p0 $0x1  }
0xa4: {  	_ =	swait.ge @!p0 [sflag:s0], s1  }
0xa5: {  	s1 =	ssub.s32 @!p0 $0x0, s1;
	[sflag:s0] =	ssyncset.done @!p0 $0x0  }
0xa6: {  	[sflag:s0] =	ssyncadd.s32 @!p0 s1  }
0xa7: {  	[bflag:$0x3] =	sbarrier.arrive $0xFFFF  }
0xa8: {  	_ =	shalt  }

</sc_bundles>
